<compile_context>
chip_gen: v7x
topology: tpu7x:2x2x1
jax: 0.10.2.dev20260603
libtpu: 0.0.44.dev20260713+nightly
codegen_flags: <defaults>
</compile_context>

<pallas_src>
import functools

import jax
import jax.numpy as jnp
from jax import lax
from jax.experimental import pallas as pl
from jax.experimental.pallas import tpu as pltpu
from jax.experimental.pallas import tpu_sc as plsc

_NC, _NS = 2, 16
_NW = _NC * _NS
_N_U, _N_I, _D = 1_000_000, 100_000, 64

_CW = 640
_T_I = _N_I // _CW
_REM = _N_I - _T_I * _CW
_G_I = -(-_T_I // _NW)

_mesh = plsc.VectorSubcoreMesh(core_axis_name="c", subcore_axis_name="s")


@functools.partial(
    pl.kernel,
    out_type=jax.ShapeDtypeStruct((_D, _N_I), jnp.float32),
    mesh=_mesh,
    scratch_types=[
        pltpu.VMEM((_D, _CW), jnp.float32),
        pltpu.VMEM((_D, _CW), jnp.float32),
        pltpu.SemaphoreType.DMA((2,)),
        pltpu.SemaphoreType.DMA((2,)),
    ],
)
def _sc_item_copy(i_hbm, out_i, buf0, buf1, in_sems, out_sems):
    wid = lax.axis_index("s") * _NC + lax.axis_index("c")
    bufs = (buf0, buf1)

    def valid(g):
        return g * _NW + wid < _T_I

    def gather(g, b):
        start = pl.multiple_of((g * _NW + wid) * _CW, 128)
        return pltpu.make_async_copy(
            i_hbm.at[:, pl.ds(start, _CW)], bufs[b], in_sems.at[b])

    def scatter(g, b):
        start = pl.multiple_of((g * _NW + wid) * _CW, 128)
        return pltpu.make_async_copy(
            bufs[b], out_i.at[:, pl.ds(start, _CW)], out_sems.at[b])

    def do(g, action):
        @pl.when(valid(g))
        def _():
            action()

    n = _G_I
    do(0, lambda: gather(0, 0).start())
    for g in range(n):
        b = g % 2
        do(g, lambda g=g, b=b: gather(g, b).wait())
        do(g, lambda g=g, b=b: scatter(g, b).start())
        if g + 1 < n:
            if g >= 1:
                do(g - 1, lambda g=g, b=b: scatter(g - 1, 1 - b).wait())
            do(g + 1, lambda g=g, b=b: gather(g + 1, 1 - b).start())
    if n >= 2:
        do(n - 2, lambda: scatter(n - 2, (n - 2) % 2).wait())
    do(n - 1, lambda: scatter(n - 1, (n - 1) % 2).wait())



_UB = 32768
_UG = -(-_N_U // _UB)


def _tc_body(src, dst):
    dst[...] = src[...]


_tc_user_copy = pl.pallas_call(
    _tc_body,
    grid=(_UG,),
    in_specs=[pl.BlockSpec((_D, _UB), lambda i: (0, i))],
    out_specs=pl.BlockSpec((_D, _UB), lambda i: (0, i)),
    out_shape=jax.ShapeDtypeStruct((_D, _N_U), jnp.float32),
    compiler_params=pltpu.CompilerParams(dimension_semantics=("parallel",)),
)


def kernel(emb_user, emb_item):
    u_t, i_t = emb_user.T, emb_item.T
    out_u = _tc_user_copy(u_t)
    out_i = _sc_item_copy(i_t)
    out_i = lax.dynamic_update_slice(out_i, i_t[:, _T_I * _CW:], (0, _T_I * _CW))
    return (out_u.T, out_i.T)

# --- scband reference (transcript-rebuilt; emitter-appended) ---
"""Pipeline reference for scband-hetero-feature-1546188226861 (READ-ONLY COPY).

The authoritative reference and input builder live on the scoring server;
editing this copy changes nothing except your own understanding.
"""

import jax, jax.numpy as jnp
import numpy as np

N_USER = 1000000
N_ITEM = 100000
EMBED = 64

def setup_inputs(seed: int = 0) -> dict:
    key = jax.random.key(seed)
    k1, k2 = jax.random.split(key)
    # Learned embedding tables built by HeteroEmbedding for every node type
    # (h_dict is empty, so all node types get embeddings; linear_dict is empty).
    emb_user = jax.random.normal(k1, (N_USER, EMBED), dtype=jnp.float32)
    emb_item = jax.random.normal(k2, (N_ITEM, EMBED), dtype=jnp.float32)
    return {"emb_user": emb_user, "emb_item": emb_item}

def reference(emb_user, emb_item):
    # HeteroFeature.forward():
    #   out_dict = {} ; out_dict.update(self.embes.weight)  -> full embedding tables per ntype
    #   tmp = self.linear(self.h_dict)  -> {} since h_dict is empty
    #   act is None, so no activation applied
    # Returns a dict {ntype: full embedding table}; represented here as a tuple
    # in fixed ntype order ('user', 'item').
    out_user = emb_user
    out_item = emb_item
    return (out_user, out_item)

if __name__ == "__main__":
    import jax
    _d = setup_inputs()
    print(jax.jit(kernel)(*tuple(_d.values())))

</pallas_src>

<mosaic_0001>
#map = affine_map<(d0, d1) -> (0, 0)>
module attributes {stable_mosaic.version = 14 : i64} {
  func.func @_sc_item_copy(%arg0: i32, %arg1: i32, %arg2: memref<64x100000xf32, #tpu.memory_space<hbm>>, %arg3: memref<64x100000xf32, #tpu.memory_space<hbm>>, %arg4: memref<64x640xf32, #tpu.memory_space<vmem>>, %arg5: memref<64x640xf32, #tpu.memory_space<vmem>>, %arg6: memref<2x!tpu.dma_semaphore, #tpu.memory_space<semaphore_mem>>, %arg7: memref<2x!tpu.dma_semaphore, #tpu.memory_space<semaphore_mem>>) attributes {dimension_semantics = [#tpu.dimension_semantics<core_parallel>, #tpu.dimension_semantics<subcore_parallel>], iteration_bounds = array<i64: 2, 16>, scalar_prefetch = 0 : i64, scratch_operands = 4 : i64, tpu.core_type = #tpu.core_type<sc_vector_subcore>, window_params = [{transform_indices = #map}, {transform_indices = #map}]} {
    %mul3A = arith.constant 2 : i32
    %mul3A_0 = arith.muli %arg1, %mul3A : i32
    %add3A = arith.addi %mul3A_0, %arg0 : i32
    %add3A_1 = arith.constant 0 : i32
    %add3A_2 = arith.addi %add3A_1, %add3A : i32
    %lt3A = arith.constant 156 : i32
    %lt3A_3 = arith.cmpi slt, %add3A_2, %lt3A : i32
    %convert_element_type3A = arith.extui %lt3A_3 : i1 to i32
    %cond3A = arith.constant 0 : i32
    %cond3A_4 = arith.cmpi ne, %convert_element_type3A, %cond3A : i32
    scf.if %cond3A_4 {
      %add3A_138 = arith.constant 0 : i32
      %add3A_139 = arith.addi %add3A_138, %add3A : i32
      %mul3A_140 = arith.constant 640 : i32
      %mul3A_141 = arith.muli %add3A_139, %mul3A_140 : i32
      %multiple_of3A = tpu.assume_multiple %mul3A_141, 128 : i32
      %dma_start3A = arith.constant 0 : i32
      %dma_start3A_142 = arith.constant 0 : i32
      %dma_start3A_143 = tpu.memref_slice %arg2[%dma_start3A_142, %multiple_of3A] : memref<64x100000xf32, #tpu.memory_space<hbm>> -> memref<64x640xf32, #tpu.memory_space<hbm>>
      %dma_start3A_144 = tpu.memref_slice %arg6[%dma_start3A] : memref<2x!tpu.dma_semaphore, #tpu.memory_space<semaphore_mem>> -> memref<1x!tpu.dma_semaphore, #tpu.memory_space<semaphore_mem>>
      %dma_start3A_145 = tpu.memref_squeeze %dma_start3A_144 : memref<1x!tpu.dma_semaphore, #tpu.memory_space<semaphore_mem>> -> memref<!tpu.dma_semaphore, #tpu.memory_space<semaphore_mem>>
      %dma_start3A_146 = arith.constant 0 : i32
      %dma_start3A_147 = tpu.memref_slice %arg2[%dma_start3A_146, %multiple_of3A] : memref<64x100000xf32, #tpu.memory_space<hbm>> -> memref<64x640xf32, #tpu.memory_space<hbm>>
      tpu.enqueue_dma source(%dma_start3A_147 : memref<64x640xf32, #tpu.memory_space<hbm>>) target(%arg4 : memref<64x640xf32, #tpu.memory_space<vmem>>) target_semaphore(%dma_start3A_145 : memref<!tpu.dma_semaphore, #tpu.memory_space<semaphore_mem>>)
    } else {
    }
    %add3A_5 = arith.constant 0 : i32
    %add3A_6 = arith.addi %add3A_5, %add3A : i32
    %lt3A_7 = arith.constant 156 : i32
    %lt3A_8 = arith.cmpi slt, %add3A_6, %lt3A_7 : i32
    %convert_element_type3A_9 = arith.extui %lt3A_8 : i1 to i32
    %cond3A_10 = arith.constant 0 : i32
    %cond3A_11 = arith.cmpi ne, %convert_element_type3A_9, %cond3A_10 : i32
    scf.if %cond3A_11 {
      %add3A_138 = arith.constant 0 : i32
      %add3A_139 = arith.addi %add3A_138, %add3A : i32
      %mul3A_140 = arith.constant 640 : i32
      %mul3A_141 = arith.muli %add3A_139, %mul3A_140 : i32
      %multiple_of3A = tpu.assume_multiple %mul3A_141, 128 : i32
      %dma_wait3A = arith.constant 0 : i32
      %dma_wait3A_142 = arith.constant 0 : i32
      %dma_wait3A_143 = tpu.memref_slice %arg2[%dma_wait3A_142, %multiple_of3A] : memref<64x100000xf32, #tpu.memory_space<hbm>> -> memref<64x640xf32, #tpu.memory_space<hbm>>
      %dma_wait3A_144 = tpu.memref_slice %arg6[%dma_wait3A] : memref<2x!tpu.dma_semaphore, #tpu.memory_space<semaphore_mem>> -> memref<1x!tpu.dma_semaphore, #tpu.memory_space<semaphore_mem>>
      %dma_wait3A_145 = tpu.memref_squeeze %dma_wait3A_144 : memref<1x!tpu.dma_semaphore, #tpu.memory_space<semaphore_mem>> -> memref<!tpu.dma_semaphore, #tpu.memory_space<semaphore_mem>>
      %dma_wait3A_146 = arith.constant 0 : i32
      %dma_wait3A_147 = tpu.memref_slice %arg2[%dma_wait3A_146, %multiple_of3A] : memref<64x100000xf32, #tpu.memory_space<hbm>> -> memref<64x640xf32, #tpu.memory_space<hbm>>
      tpu.wait_dma2 semaphore(%dma_wait3A_145 : memref<!tpu.dma_semaphore, #tpu.memory_space<semaphore_mem>>) src(%dma_wait3A_147 : memref<64x640xf32, #tpu.memory_space<hbm>>) dst(%arg4 : memref<64x640xf32, #tpu.memory_space<vmem>>)
    } else {
    }
    %add3A_12 = arith.constant 0 : i32
    %add3A_13 = arith.addi %add3A_12, %add3A : i32
    %lt3A_14 = arith.constant 156 : i32
    %lt3A_15 = arith.cmpi slt, %add3A_13, %lt3A_14 : i32
    %convert_element_type3A_16 = arith.extui %lt3A_15 : i1 to i32
    %cond3A_17 = arith.constant 0 : i32
    %cond3A_18 = arith.cmpi ne, %convert_element_type3A_16, %cond3A_17 : i32
    scf.if %cond3A_18 {
      %add3A_138 = arith.constant 0 : i32
      %add3A_139 = arith.addi %add3A_138, %add3A : i32
      %mul3A_140 = arith.constant 640 : i32
      %mul3A_141 = arith.muli %add3A_139, %mul3A_140 : i32
      %multiple_of3A = tpu.assume_multiple %mul3A_141, 128 : i32
      %dma_start3A = arith.constant 0 : i32
      %dma_start3A_142 = arith.constant 0 : i32
      %dma_start3A_143 = tpu.memref_slice %arg3[%dma_start3A_142, %multiple_of3A] : memref<64x100000xf32, #tpu.memory_space<hbm>> -> memref<64x640xf32, #tpu.memory_space<hbm>>
      %dma_start3A_144 = tpu.memref_slice %arg7[%dma_start3A] : memref<2x!tpu.dma_semaphore, #tpu.memory_space<semaphore_mem>> -> memref<1x!tpu.dma_semaphore, #tpu.memory_space<semaphore_mem>>
      %dma_start3A_145 = tpu.memref_squeeze %dma_start3A_144 : memref<1x!tpu.dma_semaphore, #tpu.memory_space<semaphore_mem>> -> memref<!tpu.dma_semaphore, #tpu.memory_space<semaphore_mem>>
      %dma_start3A_146 = arith.constant 0 : i32
      %dma_start3A_147 = tpu.memref_slice %arg3[%dma_start3A_146, %multiple_of3A] : memref<64x100000xf32, #tpu.memory_space<hbm>> -> memref<64x640xf32, #tpu.memory_space<hbm>>
      tpu.enqueue_dma source(%arg4 : memref<64x640xf32, #tpu.memory_space<vmem>>) target(%dma_start3A_147 : memref<64x640xf32, #tpu.memory_space<hbm>>) target_semaphore(%dma_start3A_145 : memref<!tpu.dma_semaphore, #tpu.memory_space<semaphore_mem>>)
    } else {
    }
    %add3A_19 = arith.constant 32 : i32
    %add3A_20 = arith.addi %add3A_19, %add3A : i32
    %lt3A_21 = arith.constant 156 : i32
    %lt3A_22 = arith.cmpi slt, %add3A_20, %lt3A_21 : i32
    %convert_element_type3A_23 = arith.extui %lt3A_22 : i1 to i32
    %cond3A_24 = arith.constant 0 : i32
    %cond3A_25 = arith.cmpi ne, %convert_element_type3A_23, %cond3A_24 : i32
    scf.if %cond3A_25 {
      %add3A_138 = arith.constant 32 : i32
      %add3A_139 = arith.addi %add3A_138, %add3A : i32
      %mul3A_140 = arith.constant 640 : i32
      %mul3A_141 = arith.muli %add3A_139, %mul3A_140 : i32
      %multiple_of3A = tpu.assume_multiple %mul3A_141, 128 : i32
      %dma_start3A = arith.constant 1 : i32
      %dma_start3A_142 = arith.constant 0 : i32
      %dma_start3A_143 = tpu.memref_slice %arg2[%dma_start3A_142, %multiple_of3A] : memref<64x100000xf32, #tpu.memory_space<hbm>> -> memref<64x640xf32, #tpu.memory_space<hbm>>
      %dma_start3A_144 = tpu.memref_slice %arg6[%dma_start3A] : memref<2x!tpu.dma_semaphore, #tpu.memory_space<semaphore_mem>> -> memref<1x!tpu.dma_semaphore, #tpu.memory_space<semaphore_mem>>
      %dma_start3A_145 = tpu.memref_squeeze %dma_start3A_144 : memref<1x!tpu.dma_semaphore, #tpu.memory_space<semaphore_mem>> -> memref<!tpu.dma_semaphore, #tpu.memory_space<semaphore_mem>>
      %dma_start3A_146 = arith.constant 0 : i32
      %dma_start3A_147 = tpu.memref_slice %arg2[%dma_start3A_146, %multiple_of3A] : memref<64x100000xf32, #tpu.memory_space<hbm>> -> memref<64x640xf32, #tpu.memory_space<hbm>>
      tpu.enqueue_dma source(%dma_start3A_147 : memref<64x640xf32, #tpu.memory_space<hbm>>) target(%arg5 : memref<64x640xf32, #tpu.memory_space<vmem>>) target_semaphore(%dma_start3A_145 : memref<!tpu.dma_semaphore, #tpu.memory_space<semaphore_mem>>)
    } else {
    }
    %add3A_26 = arith.constant 32 : i32
    %add3A_27 = arith.addi %add3A_26, %add3A : i32
    %lt3A_28 = arith.constant 156 : i32
    %lt3A_29 = arith.cmpi slt, %add3A_27, %lt3A_28 : i32
    %convert_element_type3A_30 = arith.extui %lt3A_29 : i1 to i32
    %cond3A_31 = arith.constant 0 : i32
    %cond3A_32 = arith.cmpi ne, %convert_element_type3A_30, %cond3A_31 : i32
    scf.if %cond3A_32 {
      %add3A_138 = arith.constant 32 : i32
      %add3A_139 = arith.addi %add3A_138, %add3A : i32
      %mul3A_140 = arith.constant 640 : i32
      %mul3A_141 = arith.muli %add3A_139, %mul3A_140 : i32
      %multiple_of3A = tpu.assume_multiple %mul3A_141, 128 : i32
      %dma_wait3A = arith.constant 1 : i32
      %dma_wait3A_142 = arith.constant 0 : i32
      %dma_wait3A_143 = tpu.memref_slice %arg2[%dma_wait3A_142, %multiple_of3A] : memref<64x100000xf32, #tpu.memory_space<hbm>> -> memref<64x640xf32, #tpu.memory_space<hbm>>
      %dma_wait3A_144 = tpu.memref_slice %arg6[%dma_wait3A] : memref<2x!tpu.dma_semaphore, #tpu.memory_space<semaphore_mem>> -> memref<1x!tpu.dma_semaphore, #tpu.memory_space<semaphore_mem>>
      %dma_wait3A_145 = tpu.memref_squeeze %dma_wait3A_144 : memref<1x!tpu.dma_semaphore, #tpu.memory_space<semaphore_mem>> -> memref<!tpu.dma_semaphore, #tpu.memory_space<semaphore_mem>>
      %dma_wait3A_146 = arith.constant 0 : i32
      %dma_wait3A_147 = tpu.memref_slice %arg2[%dma_wait3A_146, %multiple_of3A] : memref<64x100000xf32, #tpu.memory_space<hbm>> -> memref<64x640xf32, #tpu.memory_space<hbm>>
      tpu.wait_dma2 semaphore(%dma_wait3A_145 : memref<!tpu.dma_semaphore, #tpu.memory_space<semaphore_mem>>) src(%dma_wait3A_147 : memref<64x640xf32, #tpu.memory_space<hbm>>) dst(%arg5 : memref<64x640xf32, #tpu.memory_space<vmem>>)
    } else {
    }
    %add3A_33 = arith.constant 32 : i32
    %add3A_34 = arith.addi %add3A_33, %add3A : i32
    %lt3A_35 = arith.constant 156 : i32
    %lt3A_36 = arith.cmpi slt, %add3A_34, %lt3A_35 : i32
    %convert_element_type3A_37 = arith.extui %lt3A_36 : i1 to i32
    %cond3A_38 = arith.constant 0 : i32
    %cond3A_39 = arith.cmpi ne, %convert_element_type3A_37, %cond3A_38 : i32
    scf.if %cond3A_39 {
      %add3A_138 = arith.constant 32 : i32
      %add3A_139 = arith.addi %add3A_138, %add3A : i32
      %mul3A_140 = arith.constant 640 : i32
      %mul3A_141 = arith.muli %add3A_139, %mul3A_140 : i32
      %multiple_of3A = tpu.assume_multiple %mul3A_141, 128 : i32
      %dma_start3A = arith.constant 1 : i32
      %dma_start3A_142 = arith.constant 0 : i32
      %dma_start3A_143 = tpu.memref_slice %arg3[%dma_start3A_142, %multiple_of3A] : memref<64x100000xf32, #tpu.memory_space<hbm>> -> memref<64x640xf32, #tpu.memory_space<hbm>>
      %dma_start3A_144 = tpu.memref_slice %arg7[%dma_start3A] : memref<2x!tpu.dma_semaphore, #tpu.memory_space<semaphore_mem>> -> memref<1x!tpu.dma_semaphore, #tpu.memory_space<semaphore_mem>>
      %dma_start3A_145 = tpu.memref_squeeze %dma_start3A_144 : memref<1x!tpu.dma_semaphore, #tpu.memory_space<semaphore_mem>> -> memref<!tpu.dma_semaphore, #tpu.memory_space<semaphore_mem>>
      %dma_start3A_146 = arith.constant 0 : i32
      %dma_start3A_147 = tpu.memref_slice %arg3[%dma_start3A_146, %multiple_of3A] : memref<64x100000xf32, #tpu.memory_space<hbm>> -> memref<64x640xf32, #tpu.memory_space<hbm>>
      tpu.enqueue_dma source(%arg5 : memref<64x640xf32, #tpu.memory_space<vmem>>) target(%dma_start3A_147 : memref<64x640xf32, #tpu.memory_space<hbm>>) target_semaphore(%dma_start3A_145 : memref<!tpu.dma_semaphore, #tpu.memory_space<semaphore_mem>>)
    } else {
    }
    %add3A_40 = arith.constant 0 : i32
    %add3A_41 = arith.addi %add3A_40, %add3A : i32
    %lt3A_42 = arith.constant 156 : i32
    %lt3A_43 = arith.cmpi slt, %add3A_41, %lt3A_42 : i32
    %convert_element_type3A_44 = arith.extui %lt3A_43 : i1 to i32
    %cond3A_45 = arith.constant 0 : i32
    %cond3A_46 = arith.cmpi ne, %convert_element_type3A_44, %cond3A_45 : i32
    scf.if %cond3A_46 {
      %add3A_138 = arith.constant 0 : i32
      %add3A_139 = arith.addi %add3A_138, %add3A : i32
      %mul3A_140 = arith.constant 640 : i32
      %mul3A_141 = arith.muli %add3A_139, %mul3A_140 : i32
      %multiple_of3A = tpu.assume_multiple %mul3A_141, 128 : i32
      %dma_wait3A = arith.constant 0 : i32
      %dma_wait3A_142 = arith.constant 0 : i32
      %dma_wait3A_143 = tpu.memref_slice %arg3[%dma_wait3A_142, %multiple_of3A] : memref<64x100000xf32, #tpu.memory_space<hbm>> -> memref<64x640xf32, #tpu.memory_space<hbm>>
      %dma_wait3A_144 = tpu.memref_slice %arg7[%dma_wait3A] : memref<2x!tpu.dma_semaphore, #tpu.memory_space<semaphore_mem>> -> memref<1x!tpu.dma_semaphore, #tpu.memory_space<semaphore_mem>>
      %dma_wait3A_145 = tpu.memref_squeeze %dma_wait3A_144 : memref<1x!tpu.dma_semaphore, #tpu.memory_space<semaphore_mem>> -> memref<!tpu.dma_semaphore, #tpu.memory_space<semaphore_mem>>
      %dma_wait3A_146 = arith.constant 0 : i32
      %dma_wait3A_147 = tpu.memref_slice %arg3[%dma_wait3A_146, %multiple_of3A] : memref<64x100000xf32, #tpu.memory_space<hbm>> -> memref<64x640xf32, #tpu.memory_space<hbm>>
      tpu.wait_dma2 semaphore(%dma_wait3A_145 : memref<!tpu.dma_semaphore, #tpu.memory_space<semaphore_mem>>) src(%arg4 : memref<64x640xf32, #tpu.memory_space<vmem>>) dst(%dma_wait3A_147 : memref<64x640xf32, #tpu.memory_space<hbm>>)
    } else {
    }
    %add3A_47 = arith.constant 64 : i32
    %add3A_48 = arith.addi %add3A_47, %add3A : i32
    %lt3A_49 = arith.constant 156 : i32
    %lt3A_50 = arith.cmpi slt, %add3A_48, %lt3A_49 : i32
    %convert_element_type3A_51 = arith.extui %lt3A_50 : i1 to i32
    %cond3A_52 = arith.constant 0 : i32
    %cond3A_53 = arith.cmpi ne, %convert_element_type3A_51, %cond3A_52 : i32
    scf.if %cond3A_53 {
      %add3A_138 = arith.constant 64 : i32
      %add3A_139 = arith.addi %add3A_138, %add3A : i32
      %mul3A_140 = arith.constant 640 : i32
      %mul3A_141 = arith.muli %add3A_139, %mul3A_140 : i32
      %multiple_of3A = tpu.assume_multiple %mul3A_141, 128 : i32
      %dma_start3A = arith.constant 0 : i32
      %dma_start3A_142 = arith.constant 0 : i32
      %dma_start3A_143 = tpu.memref_slice %arg2[%dma_start3A_142, %multiple_of3A] : memref<64x100000xf32, #tpu.memory_space<hbm>> -> memref<64x640xf32, #tpu.memory_space<hbm>>
      %dma_start3A_144 = tpu.memref_slice %arg6[%dma_start3A] : memref<2x!tpu.dma_semaphore, #tpu.memory_space<semaphore_mem>> -> memref<1x!tpu.dma_semaphore, #tpu.memory_space<semaphore_mem>>
      %dma_start3A_145 = tpu.memref_squeeze %dma_start3A_144 : memref<1x!tpu.dma_semaphore, #tpu.memory_space<semaphore_mem>> -> memref<!tpu.dma_semaphore, #tpu.memory_space<semaphore_mem>>
      %dma_start3A_146 = arith.constant 0 : i32
      %dma_start3A_147 = tpu.memref_slice %arg2[%dma_start3A_146, %multiple_of3A] : memref<64x100000xf32, #tpu.memory_space<hbm>> -> memref<64x640xf32, #tpu.memory_space<hbm>>
      tpu.enqueue_dma source(%dma_start3A_147 : memref<64x640xf32, #tpu.memory_space<hbm>>) target(%arg4 : memref<64x640xf32, #tpu.memory_space<vmem>>) target_semaphore(%dma_start3A_145 : memref<!tpu.dma_semaphore, #tpu.memory_space<semaphore_mem>>)
    } else {
    }
    %add3A_54 = arith.constant 64 : i32
    %add3A_55 = arith.addi %add3A_54, %add3A : i32
    %lt3A_56 = arith.constant 156 : i32
    %lt3A_57 = arith.cmpi slt, %add3A_55, %lt3A_56 : i32
    %convert_element_type3A_58 = arith.extui %lt3A_57 : i1 to i32
    %cond3A_59 = arith.constant 0 : i32
    %cond3A_60 = arith.cmpi ne, %convert_element_type3A_58, %cond3A_59 : i32
    scf.if %cond3A_60 {
      %add3A_138 = arith.constant 64 : i32
      %add3A_139 = arith.addi %add3A_138, %add3A : i32
      %mul3A_140 = arith.constant 640 : i32
      %mul3A_141 = arith.muli %add3A_139, %mul3A_140 : i32
      %multiple_of3A = tpu.assume_multiple %mul3A_141, 128 : i32
      %dma_wait3A = arith.constant 0 : i32
      %dma_wait3A_142 = arith.constant 0 : i32
      %dma_wait3A_143 = tpu.memref_slice %arg2[%dma_wait3A_142, %multiple_of3A] : memref<64x100000xf32, #tpu.memory_space<hbm>> -> memref<64x640xf32, #tpu.memory_space<hbm>>
      %dma_wait3A_144 = tpu.memref_slice %arg6[%dma_wait3A] : memref<2x!tpu.dma_semaphore, #tpu.memory_space<semaphore_mem>> -> memref<1x!tpu.dma_semaphore, #tpu.memory_space<semaphore_mem>>
      %dma_wait3A_145 = tpu.memref_squeeze %dma_wait3A_144 : memref<1x!tpu.dma_semaphore, #tpu.memory_space<semaphore_mem>> -> memref<!tpu.dma_semaphore, #tpu.memory_space<semaphore_mem>>
      %dma_wait3A_146 = arith.constant 0 : i32
      %dma_wait3A_147 = tpu.memref_slice %arg2[%dma_wait3A_146, %multiple_of3A] : memref<64x100000xf32, #tpu.memory_space<hbm>> -> memref<64x640xf32, #tpu.memory_space<hbm>>
      tpu.wait_dma2 semaphore(%dma_wait3A_145 : memref<!tpu.dma_semaphore, #tpu.memory_space<semaphore_mem>>) src(%dma_wait3A_147 : memref<64x640xf32, #tpu.memory_space<hbm>>) dst(%arg4 : memref<64x640xf32, #tpu.memory_space<vmem>>)
    } else {
    }
    %add3A_61 = arith.constant 64 : i32
    %add3A_62 = arith.addi %add3A_61, %add3A : i32
    %lt3A_63 = arith.constant 156 : i32
    %lt3A_64 = arith.cmpi slt, %add3A_62, %lt3A_63 : i32
    %convert_element_type3A_65 = arith.extui %lt3A_64 : i1 to i32
    %cond3A_66 = arith.constant 0 : i32
    %cond3A_67 = arith.cmpi ne, %convert_element_type3A_65, %cond3A_66 : i32
    scf.if %cond3A_67 {
      %add3A_138 = arith.constant 64 : i32
      %add3A_139 = arith.addi %add3A_138, %add3A : i32
      %mul3A_140 = arith.constant 640 : i32
      %mul3A_141 = arith.muli %add3A_139, %mul3A_140 : i32
      %multiple_of3A = tpu.assume_multiple %mul3A_141, 128 : i32
      %dma_start3A = arith.constant 0 : i32
      %dma_start3A_142 = arith.constant 0 : i32
      %dma_start3A_143 = tpu.memref_slice %arg3[%dma_start3A_142, %multiple_of3A] : memref<64x100000xf32, #tpu.memory_space<hbm>> -> memref<64x640xf32, #tpu.memory_space<hbm>>
      %dma_start3A_144 = tpu.memref_slice %arg7[%dma_start3A] : memref<2x!tpu.dma_semaphore, #tpu.memory_space<semaphore_mem>> -> memref<1x!tpu.dma_semaphore, #tpu.memory_space<semaphore_mem>>
      %dma_start3A_145 = tpu.memref_squeeze %dma_start3A_144 : memref<1x!tpu.dma_semaphore, #tpu.memory_space<semaphore_mem>> -> memref<!tpu.dma_semaphore, #tpu.memory_space<semaphore_mem>>
      %dma_start3A_146 = arith.constant 0 : i32
      %dma_start3A_147 = tpu.memref_slice %arg3[%dma_start3A_146, %multiple_of3A] : memref<64x100000xf32, #tpu.memory_space<hbm>> -> memref<64x640xf32, #tpu.memory_space<hbm>>
      tpu.enqueue_dma source(%arg4 : memref<64x640xf32, #tpu.memory_space<vmem>>) target(%dma_start3A_147 : memref<64x640xf32, #tpu.memory_space<hbm>>) target_semaphore(%dma_start3A_145 : memref<!tpu.dma_semaphore, #tpu.memory_space<semaphore_mem>>)
    } else {
    }
    %add3A_68 = arith.constant 32 : i32
    %add3A_69 = arith.addi %add3A_68, %add3A : i32
    %lt3A_70 = arith.constant 156 : i32
    %lt3A_71 = arith.cmpi slt, %add3A_69, %lt3A_70 : i32
    %convert_element_type3A_72 = arith.extui %lt3A_71 : i1 to i32
    %cond3A_73 = arith.constant 0 : i32
    %cond3A_74 = arith.cmpi ne, %convert_element_type3A_72, %cond3A_73 : i32
    scf.if %cond3A_74 {
      %add3A_138 = arith.constant 32 : i32
      %add3A_139 = arith.addi %add3A_138, %add3A : i32
      %mul3A_140 = arith.constant 640 : i32
      %mul3A_141 = arith.muli %add3A_139, %mul3A_140 : i32
      %multiple_of3A = tpu.assume_multiple %mul3A_141, 128 : i32
      %dma_wait3A = arith.constant 1 : i32
      %dma_wait3A_142 = arith.constant 0 : i32
      %dma_wait3A_143 = tpu.memref_slice %arg3[%dma_wait3A_142, %multiple_of3A] : memref<64x100000xf32, #tpu.memory_space<hbm>> -> memref<64x640xf32, #tpu.memory_space<hbm>>
      %dma_wait3A_144 = tpu.memref_slice %arg7[%dma_wait3A] : memref<2x!tpu.dma_semaphore, #tpu.memory_space<semaphore_mem>> -> memref<1x!tpu.dma_semaphore, #tpu.memory_space<semaphore_mem>>
      %dma_wait3A_145 = tpu.memref_squeeze %dma_wait3A_144 : memref<1x!tpu.dma_semaphore, #tpu.memory_space<semaphore_mem>> -> memref<!tpu.dma_semaphore, #tpu.memory_space<semaphore_mem>>
      %dma_wait3A_146 = arith.constant 0 : i32
      %dma_wait3A_147 = tpu.memref_slice %arg3[%dma_wait3A_146, %multiple_of3A] : memref<64x100000xf32, #tpu.memory_space<hbm>> -> memref<64x640xf32, #tpu.memory_space<hbm>>
      tpu.wait_dma2 semaphore(%dma_wait3A_145 : memref<!tpu.dma_semaphore, #tpu.memory_space<semaphore_mem>>) src(%arg5 : memref<64x640xf32, #tpu.memory_space<vmem>>) dst(%dma_wait3A_147 : memref<64x640xf32, #tpu.memory_space<hbm>>)
    } else {
    }
    %add3A_75 = arith.constant 96 : i32
    %add3A_76 = arith.addi %add3A_75, %add3A : i32
    %lt3A_77 = arith.constant 156 : i32
    %lt3A_78 = arith.cmpi slt, %add3A_76, %lt3A_77 : i32
    %convert_element_type3A_79 = arith.extui %lt3A_78 : i1 to i32
    %cond3A_80 = arith.constant 0 : i32
    %cond3A_81 = arith.cmpi ne, %convert_element_type3A_79, %cond3A_80 : i32
    scf.if %cond3A_81 {
      %add3A_138 = arith.constant 96 : i32
      %add3A_139 = arith.addi %add3A_138, %add3A : i32
      %mul3A_140 = arith.constant 640 : i32
      %mul3A_141 = arith.muli %add3A_139, %mul3A_140 : i32
      %multiple_of3A = tpu.assume_multiple %mul3A_141, 128 : i32
      %dma_start3A = arith.constant 1 : i32
      %dma_start3A_142 = arith.constant 0 : i32
      %dma_start3A_143 = tpu.memref_slice %arg2[%dma_start3A_142, %multiple_of3A] : memref<64x100000xf32, #tpu.memory_space<hbm>> -> memref<64x640xf32, #tpu.memory_space<hbm>>
      %dma_start3A_144 = tpu.memref_slice %arg6[%dma_start3A] : memref<2x!tpu.dma_semaphore, #tpu.memory_space<semaphore_mem>> -> memref<1x!tpu.dma_semaphore, #tpu.memory_space<semaphore_mem>>
      %dma_start3A_145 = tpu.memref_squeeze %dma_start3A_144 : memref<1x!tpu.dma_semaphore, #tpu.memory_space<semaphore_mem>> -> memref<!tpu.dma_semaphore, #tpu.memory_space<semaphore_mem>>
      %dma_start3A_146 = arith.constant 0 : i32
      %dma_start3A_147 = tpu.memref_slice %arg2[%dma_start3A_146, %multiple_of3A] : memref<64x100000xf32, #tpu.memory_space<hbm>> -> memref<64x640xf32, #tpu.memory_space<hbm>>
      tpu.enqueue_dma source(%dma_start3A_147 : memref<64x640xf32, #tpu.memory_space<hbm>>) target(%arg5 : memref<64x640xf32, #tpu.memory_space<vmem>>) target_semaphore(%dma_start3A_145 : memref<!tpu.dma_semaphore, #tpu.memory_space<semaphore_mem>>)
    } else {
    }
    %add3A_82 = arith.constant 96 : i32
    %add3A_83 = arith.addi %add3A_82, %add3A : i32
    %lt3A_84 = arith.constant 156 : i32
    %lt3A_85 = arith.cmpi slt, %add3A_83, %lt3A_84 : i32
    %convert_element_type3A_86 = arith.extui %lt3A_85 : i1 to i32
    %cond3A_87 = arith.constant 0 : i32
    %cond3A_88 = arith.cmpi ne, %convert_element_type3A_86, %cond3A_87 : i32
    scf.if %cond3A_88 {
      %add3A_138 = arith.constant 96 : i32
      %add3A_139 = arith.addi %add3A_138, %add3A : i32
      %mul3A_140 = arith.constant 640 : i32
      %mul3A_141 = arith.muli %add3A_139, %mul3A_140 : i32
      %multiple_of3A = tpu.assume_multiple %mul3A_141, 128 : i32
      %dma_wait3A = arith.constant 1 : i32
      %dma_wait3A_142 = arith.constant 0 : i32
      %dma_wait3A_143 = tpu.memref_slice %arg2[%dma_wait3A_142, %multiple_of3A] : memref<64x100000xf32, #tpu.memory_space<hbm>> -> memref<64x640xf32, #tpu.memory_space<hbm>>
      %dma_wait3A_144 = tpu.memref_slice %arg6[%dma_wait3A] : memref<2x!tpu.dma_semaphore, #tpu.memory_space<semaphore_mem>> -> memref<1x!tpu.dma_semaphore, #tpu.memory_space<semaphore_mem>>
      %dma_wait3A_145 = tpu.memref_squeeze %dma_wait3A_144 : memref<1x!tpu.dma_semaphore, #tpu.memory_space<semaphore_mem>> -> memref<!tpu.dma_semaphore, #tpu.memory_space<semaphore_mem>>
      %dma_wait3A_146 = arith.constant 0 : i32
      %dma_wait3A_147 = tpu.memref_slice %arg2[%dma_wait3A_146, %multiple_of3A] : memref<64x100000xf32, #tpu.memory_space<hbm>> -> memref<64x640xf32, #tpu.memory_space<hbm>>
      tpu.wait_dma2 semaphore(%dma_wait3A_145 : memref<!tpu.dma_semaphore, #tpu.memory_space<semaphore_mem>>) src(%dma_wait3A_147 : memref<64x640xf32, #tpu.memory_space<hbm>>) dst(%arg5 : memref<64x640xf32, #tpu.memory_space<vmem>>)
    } else {
    }
    %add3A_89 = arith.constant 96 : i32
    %add3A_90 = arith.addi %add3A_89, %add3A : i32
    %lt3A_91 = arith.constant 156 : i32
    %lt3A_92 = arith.cmpi slt, %add3A_90, %lt3A_91 : i32
    %convert_element_type3A_93 = arith.extui %lt3A_92 : i1 to i32
    %cond3A_94 = arith.constant 0 : i32
    %cond3A_95 = arith.cmpi ne, %convert_element_type3A_93, %cond3A_94 : i32
    scf.if %cond3A_95 {
      %add3A_138 = arith.constant 96 : i32
      %add3A_139 = arith.addi %add3A_138, %add3A : i32
      %mul3A_140 = arith.constant 640 : i32
      %mul3A_141 = arith.muli %add3A_139, %mul3A_140 : i32
      %multiple_of3A = tpu.assume_multiple %mul3A_141, 128 : i32
      %dma_start3A = arith.constant 1 : i32
      %dma_start3A_142 = arith.constant 0 : i32
      %dma_start3A_143 = tpu.memref_slice %arg3[%dma_start3A_142, %multiple_of3A] : memref<64x100000xf32, #tpu.memory_space<hbm>> -> memref<64x640xf32, #tpu.memory_space<hbm>>
      %dma_start3A_144 = tpu.memref_slice %arg7[%dma_start3A] : memref<2x!tpu.dma_semaphore, #tpu.memory_space<semaphore_mem>> -> memref<1x!tpu.dma_semaphore, #tpu.memory_space<semaphore_mem>>
      %dma_start3A_145 = tpu.memref_squeeze %dma_start3A_144 : memref<1x!tpu.dma_semaphore, #tpu.memory_space<semaphore_mem>> -> memref<!tpu.dma_semaphore, #tpu.memory_space<semaphore_mem>>
      %dma_start3A_146 = arith.constant 0 : i32
      %dma_start3A_147 = tpu.memref_slice %arg3[%dma_start3A_146, %multiple_of3A] : memref<64x100000xf32, #tpu.memory_space<hbm>> -> memref<64x640xf32, #tpu.memory_space<hbm>>
      tpu.enqueue_dma source(%arg5 : memref<64x640xf32, #tpu.memory_space<vmem>>) target(%dma_start3A_147 : memref<64x640xf32, #tpu.memory_space<hbm>>) target_semaphore(%dma_start3A_145 : memref<!tpu.dma_semaphore, #tpu.memory_space<semaphore_mem>>)
    } else {
    }
    %add3A_96 = arith.constant 64 : i32
    %add3A_97 = arith.addi %add3A_96, %add3A : i32
    %lt3A_98 = arith.constant 156 : i32
    %lt3A_99 = arith.cmpi slt, %add3A_97, %lt3A_98 : i32
    %convert_element_type3A_100 = arith.extui %lt3A_99 : i1 to i32
    %cond3A_101 = arith.constant 0 : i32
    %cond3A_102 = arith.cmpi ne, %convert_element_type3A_100, %cond3A_101 : i32
    scf.if %cond3A_102 {
      %add3A_138 = arith.constant 64 : i32
      %add3A_139 = arith.addi %add3A_138, %add3A : i32
      %mul3A_140 = arith.constant 640 : i32
      %mul3A_141 = arith.muli %add3A_139, %mul3A_140 : i32
      %multiple_of3A = tpu.assume_multiple %mul3A_141, 128 : i32
      %dma_wait3A = arith.constant 0 : i32
      %dma_wait3A_142 = arith.constant 0 : i32
      %dma_wait3A_143 = tpu.memref_slice %arg3[%dma_wait3A_142, %multiple_of3A] : memref<64x100000xf32, #tpu.memory_space<hbm>> -> memref<64x640xf32, #tpu.memory_space<hbm>>
      %dma_wait3A_144 = tpu.memref_slice %arg7[%dma_wait3A] : memref<2x!tpu.dma_semaphore, #tpu.memory_space<semaphore_mem>> -> memref<1x!tpu.dma_semaphore, #tpu.memory_space<semaphore_mem>>
      %dma_wait3A_145 = tpu.memref_squeeze %dma_wait3A_144 : memref<1x!tpu.dma_semaphore, #tpu.memory_space<semaphore_mem>> -> memref<!tpu.dma_semaphore, #tpu.memory_space<semaphore_mem>>
      %dma_wait3A_146 = arith.constant 0 : i32
      %dma_wait3A_147 = tpu.memref_slice %arg3[%dma_wait3A_146, %multiple_of3A] : memref<64x100000xf32, #tpu.memory_space<hbm>> -> memref<64x640xf32, #tpu.memory_space<hbm>>
      tpu.wait_dma2 semaphore(%dma_wait3A_145 : memref<!tpu.dma_semaphore, #tpu.memory_space<semaphore_mem>>) src(%arg4 : memref<64x640xf32, #tpu.memory_space<vmem>>) dst(%dma_wait3A_147 : memref<64x640xf32, #tpu.memory_space<hbm>>)
    } else {
    }
    %add3A_103 = arith.constant 128 : i32
    %add3A_104 = arith.addi %add3A_103, %add3A : i32
    %lt3A_105 = arith.constant 156 : i32
    %lt3A_106 = arith.cmpi slt, %add3A_104, %lt3A_105 : i32
    %convert_element_type3A_107 = arith.extui %lt3A_106 : i1 to i32
    %cond3A_108 = arith.constant 0 : i32
    %cond3A_109 = arith.cmpi ne, %convert_element_type3A_107, %cond3A_108 : i32
    scf.if %cond3A_109 {
      %add3A_138 = arith.constant 128 : i32
      %add3A_139 = arith.addi %add3A_138, %add3A : i32
      %mul3A_140 = arith.constant 640 : i32
      %mul3A_141 = arith.muli %add3A_139, %mul3A_140 : i32
      %multiple_of3A = tpu.assume_multiple %mul3A_141, 128 : i32
      %dma_start3A = arith.constant 0 : i32
      %dma_start3A_142 = arith.constant 0 : i32
      %dma_start3A_143 = tpu.memref_slice %arg2[%dma_start3A_142, %multiple_of3A] : memref<64x100000xf32, #tpu.memory_space<hbm>> -> memref<64x640xf32, #tpu.memory_space<hbm>>
      %dma_start3A_144 = tpu.memref_slice %arg6[%dma_start3A] : memref<2x!tpu.dma_semaphore, #tpu.memory_space<semaphore_mem>> -> memref<1x!tpu.dma_semaphore, #tpu.memory_space<semaphore_mem>>
      %dma_start3A_145 = tpu.memref_squeeze %dma_start3A_144 : memref<1x!tpu.dma_semaphore, #tpu.memory_space<semaphore_mem>> -> memref<!tpu.dma_semaphore, #tpu.memory_space<semaphore_mem>>
      %dma_start3A_146 = arith.constant 0 : i32
      %dma_start3A_147 = tpu.memref_slice %arg2[%dma_start3A_146, %multiple_of3A] : memref<64x100000xf32, #tpu.memory_space<hbm>> -> memref<64x640xf32, #tpu.memory_space<hbm>>
      tpu.enqueue_dma source(%dma_start3A_147 : memref<64x640xf32, #tpu.memory_space<hbm>>) target(%arg4 : memref<64x640xf32, #tpu.memory_space<vmem>>) target_semaphore(%dma_start3A_145 : memref<!tpu.dma_semaphore, #tpu.memory_space<semaphore_mem>>)
    } else {
    }
    %add3A_110 = arith.constant 128 : i32
    %add3A_111 = arith.addi %add3A_110, %add3A : i32
    %lt3A_112 = arith.constant 156 : i32
    %lt3A_113 = arith.cmpi slt, %add3A_111, %lt3A_112 : i32
    %convert_element_type3A_114 = arith.extui %lt3A_113 : i1 to i32
    %cond3A_115 = arith.constant 0 : i32
    %cond3A_116 = arith.cmpi ne, %convert_element_type3A_114, %cond3A_115 : i32
    scf.if %cond3A_116 {
      %add3A_138 = arith.constant 128 : i32
      %add3A_139 = arith.addi %add3A_138, %add3A : i32
      %mul3A_140 = arith.constant 640 : i32
      %mul3A_141 = arith.muli %add3A_139, %mul3A_140 : i32
      %multiple_of3A = tpu.assume_multiple %mul3A_141, 128 : i32
      %dma_wait3A = arith.constant 0 : i32
      %dma_wait3A_142 = arith.constant 0 : i32
      %dma_wait3A_143 = tpu.memref_slice %arg2[%dma_wait3A_142, %multiple_of3A] : memref<64x100000xf32, #tpu.memory_space<hbm>> -> memref<64x640xf32, #tpu.memory_space<hbm>>
      %dma_wait3A_144 = tpu.memref_slice %arg6[%dma_wait3A] : memref<2x!tpu.dma_semaphore, #tpu.memory_space<semaphore_mem>> -> memref<1x!tpu.dma_semaphore, #tpu.memory_space<semaphore_mem>>
      %dma_wait3A_145 = tpu.memref_squeeze %dma_wait3A_144 : memref<1x!tpu.dma_semaphore, #tpu.memory_space<semaphore_mem>> -> memref<!tpu.dma_semaphore, #tpu.memory_space<semaphore_mem>>
      %dma_wait3A_146 = arith.constant 0 : i32
      %dma_wait3A_147 = tpu.memref_slice %arg2[%dma_wait3A_146, %multiple_of3A] : memref<64x100000xf32, #tpu.memory_space<hbm>> -> memref<64x640xf32, #tpu.memory_space<hbm>>
      tpu.wait_dma2 semaphore(%dma_wait3A_145 : memref<!tpu.dma_semaphore, #tpu.memory_space<semaphore_mem>>) src(%dma_wait3A_147 : memref<64x640xf32, #tpu.memory_space<hbm>>) dst(%arg4 : memref<64x640xf32, #tpu.memory_space<vmem>>)
    } else {
    }
    %add3A_117 = arith.constant 128 : i32
    %add3A_118 = arith.addi %add3A_117, %add3A : i32
    %lt3A_119 = arith.constant 156 : i32
    %lt3A_120 = arith.cmpi slt, %add3A_118, %lt3A_119 : i32
    %convert_element_type3A_121 = arith.extui %lt3A_120 : i1 to i32
    %cond3A_122 = arith.constant 0 : i32
    %cond3A_123 = arith.cmpi ne, %convert_element_type3A_121, %cond3A_122 : i32
    scf.if %cond3A_123 {
      %add3A_138 = arith.constant 128 : i32
      %add3A_139 = arith.addi %add3A_138, %add3A : i32
      %mul3A_140 = arith.constant 640 : i32
      %mul3A_141 = arith.muli %add3A_139, %mul3A_140 : i32
      %multiple_of3A = tpu.assume_multiple %mul3A_141, 128 : i32
      %dma_start3A = arith.constant 0 : i32
      %dma_start3A_142 = arith.constant 0 : i32
      %dma_start3A_143 = tpu.memref_slice %arg3[%dma_start3A_142, %multiple_of3A] : memref<64x100000xf32, #tpu.memory_space<hbm>> -> memref<64x640xf32, #tpu.memory_space<hbm>>
      %dma_start3A_144 = tpu.memref_slice %arg7[%dma_start3A] : memref<2x!tpu.dma_semaphore, #tpu.memory_space<semaphore_mem>> -> memref<1x!tpu.dma_semaphore, #tpu.memory_space<semaphore_mem>>
      %dma_start3A_145 = tpu.memref_squeeze %dma_start3A_144 : memref<1x!tpu.dma_semaphore, #tpu.memory_space<semaphore_mem>> -> memref<!tpu.dma_semaphore, #tpu.memory_space<semaphore_mem>>
      %dma_start3A_146 = arith.constant 0 : i32
      %dma_start3A_147 = tpu.memref_slice %arg3[%dma_start3A_146, %multiple_of3A] : memref<64x100000xf32, #tpu.memory_space<hbm>> -> memref<64x640xf32, #tpu.memory_space<hbm>>
      tpu.enqueue_dma source(%arg4 : memref<64x640xf32, #tpu.memory_space<vmem>>) target(%dma_start3A_147 : memref<64x640xf32, #tpu.memory_space<hbm>>) target_semaphore(%dma_start3A_145 : memref<!tpu.dma_semaphore, #tpu.memory_space<semaphore_mem>>)
    } else {
    }
    %add3A_124 = arith.constant 96 : i32
    %add3A_125 = arith.addi %add3A_124, %add3A : i32
    %lt3A_126 = arith.constant 156 : i32
    %lt3A_127 = arith.cmpi slt, %add3A_125, %lt3A_126 : i32
    %convert_element_type3A_128 = arith.extui %lt3A_127 : i1 to i32
    %cond3A_129 = arith.constant 0 : i32
    %cond3A_130 = arith.cmpi ne, %convert_element_type3A_128, %cond3A_129 : i32
    scf.if %cond3A_130 {
      %add3A_138 = arith.constant 96 : i32
      %add3A_139 = arith.addi %add3A_138, %add3A : i32
      %mul3A_140 = arith.constant 640 : i32
      %mul3A_141 = arith.muli %add3A_139, %mul3A_140 : i32
      %multiple_of3A = tpu.assume_multiple %mul3A_141, 128 : i32
      %dma_wait3A = arith.constant 1 : i32
      %dma_wait3A_142 = arith.constant 0 : i32
      %dma_wait3A_143 = tpu.memref_slice %arg3[%dma_wait3A_142, %multiple_of3A] : memref<64x100000xf32, #tpu.memory_space<hbm>> -> memref<64x640xf32, #tpu.memory_space<hbm>>
      %dma_wait3A_144 = tpu.memref_slice %arg7[%dma_wait3A] : memref<2x!tpu.dma_semaphore, #tpu.memory_space<semaphore_mem>> -> memref<1x!tpu.dma_semaphore, #tpu.memory_space<semaphore_mem>>
      %dma_wait3A_145 = tpu.memref_squeeze %dma_wait3A_144 : memref<1x!tpu.dma_semaphore, #tpu.memory_space<semaphore_mem>> -> memref<!tpu.dma_semaphore, #tpu.memory_space<semaphore_mem>>
      %dma_wait3A_146 = arith.constant 0 : i32
      %dma_wait3A_147 = tpu.memref_slice %arg3[%dma_wait3A_146, %multiple_of3A] : memref<64x100000xf32, #tpu.memory_space<hbm>> -> memref<64x640xf32, #tpu.memory_space<hbm>>
      tpu.wait_dma2 semaphore(%dma_wait3A_145 : memref<!tpu.dma_semaphore, #tpu.memory_space<semaphore_mem>>) src(%arg5 : memref<64x640xf32, #tpu.memory_space<vmem>>) dst(%dma_wait3A_147 : memref<64x640xf32, #tpu.memory_space<hbm>>)
    } else {
    }
    %add3A_131 = arith.constant 128 : i32
    %add3A_132 = arith.addi %add3A_131, %add3A : i32
    %lt3A_133 = arith.constant 156 : i32
    %lt3A_134 = arith.cmpi slt, %add3A_132, %lt3A_133 : i32
    %convert_element_type3A_135 = arith.extui %lt3A_134 : i1 to i32
    %cond3A_136 = arith.constant 0 : i32
    %cond3A_137 = arith.cmpi ne, %convert_element_type3A_135, %cond3A_136 : i32
    scf.if %cond3A_137 {
      %add3A_138 = arith.constant 128 : i32
      %add3A_139 = arith.addi %add3A_138, %add3A : i32
      %mul3A_140 = arith.constant 640 : i32
      %mul3A_141 = arith.muli %add3A_139, %mul3A_140 : i32
      %multiple_of3A = tpu.assume_multiple %mul3A_141, 128 : i32
      %dma_wait3A = arith.constant 0 : i32
      %dma_wait3A_142 = arith.constant 0 : i32
      %dma_wait3A_143 = tpu.memref_slice %arg3[%dma_wait3A_142, %multiple_of3A] : memref<64x100000xf32, #tpu.memory_space<hbm>> -> memref<64x640xf32, #tpu.memory_space<hbm>>
      %dma_wait3A_144 = tpu.memref_slice %arg7[%dma_wait3A] : memref<2x!tpu.dma_semaphore, #tpu.memory_space<semaphore_mem>> -> memref<1x!tpu.dma_semaphore, #tpu.memory_space<semaphore_mem>>
      %dma_wait3A_145 = tpu.memref_squeeze %dma_wait3A_144 : memref<1x!tpu.dma_semaphore, #tpu.memory_space<semaphore_mem>> -> memref<!tpu.dma_semaphore, #tpu.memory_space<semaphore_mem>>
      %dma_wait3A_146 = arith.constant 0 : i32
      %dma_wait3A_147 = tpu.memref_slice %arg3[%dma_wait3A_146, %multiple_of3A] : memref<64x100000xf32, #tpu.memory_space<hbm>> -> memref<64x640xf32, #tpu.memory_space<hbm>>
      tpu.wait_dma2 semaphore(%dma_wait3A_145 : memref<!tpu.dma_semaphore, #tpu.memory_space<semaphore_mem>>) src(%arg4 : memref<64x640xf32, #tpu.memory_space<vmem>>) dst(%dma_wait3A_147 : memref<64x640xf32, #tpu.memory_space<hbm>>)
    } else {
    }
    return
  }
}

module attributes {stable_mosaic.version = 14 : i64} {
  func.func @_tc_body(%arg0: i32, %arg1: memref<64x32768xf32, #tpu.memory_space<vmem>>, %arg2: memref<64x32768xf32, #tpu.memory_space<vmem>>) attributes {dimension_semantics = [#tpu.dimension_semantics<parallel>], iteration_bounds = array<i64: 31>, scalar_prefetch = 0 : i64, scratch_operands = 0 : i64, tpu.core_type = #tpu.core_type<tc>, window_params = [{transform_indices = @transform_0, window_bounds = array<i64: 64, 32768>}, {transform_indices = @transform_1, window_bounds = array<i64: 64, 32768>}]} {
    %get3A = arith.constant 0 : index
    %get3A_0 = arith.constant 0 : index
    %get3A_1 = vector.load %arg1[%get3A, %get3A_0] : memref<64x32768xf32, #tpu.memory_space<vmem>>, vector<64x32768xf32>
    %swap3A = arith.constant 0 : index
    %swap3A_2 = arith.constant 0 : index
    %swap3A_3 = vector.load %arg2[%swap3A, %swap3A_2] : memref<64x32768xf32, #tpu.memory_space<vmem>>, vector<64x32768xf32>
    tpu.vector_store %arg2[%swap3A, %swap3A_2], %get3A_1 {strides = array<i32>} : memref<64x32768xf32, #tpu.memory_space<vmem>>, vector<64x32768xf32>,
    return
  }
  func.func @transform_0(%arg0: i32) -> (i32, i32) {
    %c0_i32 = arith.constant 0 : i32
    %c0_i32_0 = arith.constant 0 : i32
    return %c0_i32, %arg0 : i32, i32
  }
  func.func @transform_1(%arg0: i32) -> (i32, i32) {
    %c0_i32 = arith.constant 0 : i32
    %c0_i32_0 = arith.constant 0 : i32
    return %c0_i32, %arg0 : i32, i32
  }
}

</mosaic_0001>

<sc_bundles>
// kernel: kernel.4.cloned.1.call-start
scs
__scs_entry_jumppad:
0x0: {  	(pc) =	sbr.rel $0x88, $3  }
0x1: {  	(tag) =	ssettag $0x0;
	lr =	simm.s32 $0x1  }
0x2: {  	[smem:$0x3F9F] =	sst lr;
	_ =	strace $0xD0000000  }
0x3: {  	_ = 	snop  }
0x4: {  	_ = 	snop  }
0x5: {  	_ = 	snop  }
0x6: {  	_ = 	snop  }
0x7: {  	_ = 	snop  }
__scs_overlays_trampoline_lowered:
0x8: {  	[smem:$0x3FAE] =	sst s0  }
0x9: {  	[smem:$0x3FAF] =	sst s1  }
0xa: {  	[smem:$0x3FB0] =	sst s2  }
0xb: {  	[smem:$0x3FB1] =	sst s3  }
0xc: {  	[smem:$0x3FB2] =	sst s4  }
0xd: {  	[smem:$0x3FB3] =	sst s5  }
0xe: {  	[smem:$0x3FB4] =	sst s6  }
0xf: {  	[smem:$0x3FB5] =	sst s7  }
0x10: {  	[smem:$0x3FB6] =	sst s8  }
0x11: {  	[smem:$0x3FB7] =	sst s9;
	s0 =	simm.s32 @!p0 $0x0  }
0x12: {  	s1 =	sld [smem:$0x3F9D];
	s0 =	simm.s32 @p0 $0x1  }
0x13: {  	[smem:$0x3FB8] =	sst s0;
	s0 =	simm.s32 @!p1 $0x0  }
0x14: {  	s2 =	sld [smem:$0x3F9C];
	s0 =	simm.s32 @p1 $0x1  }
0x15: {  	[smem:$0x3FB9] =	sst s0;
	s0 =	simm.s32 @!p2 $0x0  }
0x16: {  	s3 =	sld [smem:$0x3FDB];
	s0 =	simm.s32 @p2 $0x1  }
0x17: {  	s4 =	simm.s32 $0x1BF5;
	[smem:$0x3FBB] =	sst s0  }
0x18: {  	s0 =	sld [smem:$0x3F9E];
	_ =	swait.ge [sflag:s4], $0x0  }
0x19: {  	s7 =	sld [smem:$0x3F9F]  }
0x1a: {  	s8 =	sadd.s32 $0xFFFFE003, lr  }
0x1b: {  	s9 =	sadd.s32 $0xFFFFFEF7, lr;
	s5 =	simm.s32 $0xFFFFFFFF;
	p2 =	slt.u32 s8, $0xFFFFF086  }
0x1c: {  	p1 =	slt.u32 s9, $0xF7A;
	s5 =	simm.s32 @!p2 $0x0  }
0x1d: {  	s5 =	simm.s32 @p1 $0x1;
	p0 =	seq.s32 s7, s2  }
0x1e: {  	s7 =	smul.u32 @!p0 $0xF7A, s2;
	p2 =	seq.s32 @!p0 s5, $0x0  }
0x1f: {  	s9 =	smul.u32 $0xF7A, s1;
	s8 =	simm.s32 @!p0 $0x1BF5;
	p2 =	por !p2, p0  }
0x20: {  	[sflag:s8] =	ssyncset.s32 @!p0 $0xFFFFF086;
	s6 =	sadd.s32 @!p0 s3, s7;
	s7 =	simm.s32 @!p0 $0x108  }
0x21: {  	s3 =	sadd.s32 s3, s9;
	s6 =	sadd.s32 @!p0 $0x88, s6;
	s7 =	simm.s32 @p2 $0x1082  }
0x22: {  	[simem:s7], [sflag:s8] =	dma.local @!p0 [hbm:s6], $0xF7A  }
0x23: {  	s9 =	sor.u32 $0xD0000000, s2;
	s6 =	simm.s32 $0x108;
	_ =	swait.ge @!p0 [sflag:s8], $0x0  }
0x24: {  	s3 =	sadd.s32 $0x88, s3;
	s6 =	simm.s32 @!p1 $0x1082;
	[sflag:s4] =	ssyncset.s32 $0xFFFFF086  }
0x25: {  	[simem:s6], [sflag:s4] =	dma.local [hbm:s3], $0xF7A  }
0x26: {  	[smem:$0x3F9F] =	sst s1;
	(tag) =	ssettag s2;
	_ =	strace s9  }
0x27: {  	s1 =	sld [smem:$0x3FAF]  }
0x28: {  	s2 =	sld [smem:$0x3FB0]  }
0x29: {  	s4 =	sld [smem:$0x3FB2]  }
0x2a: {  	p0 =	seq.s32 s5, $0x0;
	s5 =	sld [smem:$0x3FB3]  }
0x2b: {  	s6 =	sld [smem:$0x3FB4]  }
0x2c: {  	s7 =	sld [smem:$0x3FB5]  }
0x2d: {  	s3 =	simm.s32 $0x108;
	s8 =	sld [smem:$0x3FB6]  }
0x2e: {  	s3 =	simm.s32 @!p0 $0x1082;
	s9 =	sld [smem:$0x3FB7]  }
0x2f: {  	lr =	sadd.s32 s0, s3;
	s0 =	sld [smem:$0x3FAE]  }
0x30: {  	s3 =	sld [smem:$0x3FB1]  }
0x31: {  	[smem:$0x3FBA] =	sst s10  }
0x32: {  	s10 =	sld [smem:$0x3FB8];
	_ =	sdelay $0x3  }
0x33: {  	p0 =	seq.s32 s10, $0x1;
	s10 =	sld [smem:$0x3FBA];
	_ =	sdelay $0x3  }
0x34: {  	[smem:$0x3FBA] =	sst s10  }
0x35: {  	s10 =	sld [smem:$0x3FB9];
	_ =	sdelay $0x3  }
0x36: {  	p1 =	seq.s32 s10, $0x1;
	s10 =	sld [smem:$0x3FBA];
	_ =	sdelay $0x3  }
0x37: {  	[smem:$0x3FBA] =	sst s10  }
0x38: {  	s10 =	sld [smem:$0x3FBB]  }
0x39: {  	_ = 	snop;
	(pc) =	sbr.ind lr, $3  }
0x3a: {  	_ = 	snop  }
0x3b: {  	_ = 	snop  }
0x3c: {  	p2 =	seq.s32 s10, $0x1;
	s10 =	sld [smem:$0x3FBA]  }
0x3d: {  	_ =	shalt  }
0x3e: {  	_ =	shalt  }
0x3f: {  	_ =	shalt  }
0x40: {  	_ =	shalt  }
0x41: {  	_ =	shalt  }
0x42: {  	_ =	shalt  }
0x43: {  	_ =	shalt  }
0x44: {  	_ =	shalt  }
0x45: {  	_ =	shalt  }
0x46: {  	_ =	shalt  }
0x47: {  	_ =	shalt  }
0x48: {  	_ =	shalt  }
0x49: {  	_ =	shalt  }
0x4a: {  	_ =	shalt  }
0x4b: {  	_ =	shalt  }
0x4c: {  	_ =	shalt  }
0x4d: {  	_ =	shalt  }
0x4e: {  	_ =	shalt  }
0x4f: {  	_ =	shalt  }
0x50: {  	_ =	shalt  }
0x51: {  	_ =	shalt  }
0x52: {  	_ =	shalt  }
0x53: {  	_ =	shalt  }
0x54: {  	_ =	shalt  }
0x55: {  	_ =	shalt  }
0x56: {  	_ =	shalt  }
0x57: {  	_ =	shalt  }
0x58: {  	_ =	shalt  }
0x59: {  	_ =	shalt  }
0x5a: {  	_ =	shalt  }
0x5b: {  	_ =	shalt  }
0x5c: {  	_ =	shalt  }
0x5d: {  	_ =	shalt  }
0x5e: {  	_ =	shalt  }
0x5f: {  	_ =	shalt  }
0x60: {  	_ =	shalt  }
0x61: {  	_ =	shalt  }
0x62: {  	_ =	shalt  }
0x63: {  	_ =	shalt  }
0x64: {  	_ =	shalt  }
0x65: {  	_ =	shalt  }
0x66: {  	_ =	shalt  }
0x67: {  	_ =	shalt  }
0x68: {  	_ =	shalt  }
0x69: {  	_ =	shalt  }
0x6a: {  	_ =	shalt  }
0x6b: {  	_ =	shalt  }
0x6c: {  	_ =	shalt  }
0x6d: {  	_ =	shalt  }
0x6e: {  	_ =	shalt  }
0x6f: {  	_ =	shalt  }
0x70: {  	_ =	shalt  }
0x71: {  	_ =	shalt  }
0x72: {  	_ =	shalt  }
0x73: {  	_ =	shalt  }
0x74: {  	_ =	shalt  }
0x75: {  	_ =	shalt  }
0x76: {  	_ =	shalt  }
0x77: {  	_ =	shalt  }
0x78: {  	_ =	shalt  }
0x79: {  	_ =	shalt  }
0x7a: {  	_ =	shalt  }
0x7b: {  	_ =	shalt  }
0x7c: {  	_ =	shalt  }
0x7d: {  	_ =	shalt  }
0x7e: {  	_ =	shalt  }
0x7f: {  	_ =	shalt  }
0x80: {  	_ =	shalt  }
0x81: {  	_ =	shalt  }
0x82: {  	_ =	shalt  }
0x83: {  	_ =	shalt  }
0x84: {  	_ =	shalt  }
0x85: {  	_ =	shalt  }
0x86: {  	_ =	shalt  }
0x87: {  	_ =	shalt  }
.Lfunc_end0:
.L_simem_size_0:
called_computation_lowered:
.L_overlay_start_0:
0x88: {  	s2 =	sld [smem:$0x3FD9]  }
0x89: {  	s3 =	sld [smem:$0x3FFE];
	_ =	sdelay $0x1  }
0x8a: {  	s1 =	srdreg.scid  }
0x8b: {  	s0 =	sand.u32 $0x1, s1  }
0x8c: {  	s15 =	sshll.u32 s0, $0xA;
	s2 =	sadd.s32 s3, s2  }
0x8d: {  	s2 =	sadd.s32 s2, s15  }
0x8e: {  	[smem:$0x3FC6] =	sst s2  }
0x8f: {  	_ = 	snop  }
0x90: {  	s2 =	sld [smem:$0x3FD0];
	_ =	sdelay $0x2  }
0x91: {  	s4 =	simm.s32 $0xA;
	s5 =	simm.s32 $0x10;
	s16 =	sld [smem:$0x3FC8]  }
0x92: {  	[smem:s5], [sflag:s4] =	dma.local [hbm:s2], $0x1  }
0x93: {  	_ =	swait.eq [sflag:s4], $0x1  }
0x94: {  	[sflag:s4] =	ssyncset.done $0x0  }
0x95: {  	[sflag:s4] =	ssyncadd.s32 $0xFFFFFFFF  }
0x96: {  	s17 =	sld [smem:$0x11];
	(tm) =	ssettm $0x1  }
0x97: {  	s18 =	sld [smem:$0x3FFB];
	_ =	sdelay $0x3  }
0x98: {  	_ =	strace s18  }
0x99: {  	s4 =	sld [smem:$0x3FFC];
	_ =	sdelay $0x3  }
0x9a: {  	_ =	strace s4  }
0x9b: {  	s4 =	sld [smem:$0x3FFD];
	_ =	sdelay $0x3  }
0x9c: {  	_ =	strace s4  }
0x9d: {  	_ =	strace $0x8FFFFFFF  }
0x9e: {  	s19 =	sld [smem:$0x3FDB];
	_ =	sdelay $0x1  }
0x9f: {  	s20 =	simm.s32 $_scs_section_size  }
0xa0: {  	s6 =	simm.s32 $_size__tile_overlayer_lowered;
	s7 =	simm.s32 $_tile_overlayer_lowered  }
0xa1: {  	s23 =	simm.s32 $0x1BFF;
	s22 =	sshll.u32 s7, $0x1;
	s4 =	sadd.s32 s20, s19  }
0xa2: {  	s8 =	simm.s32 $0x0;
	s21 =	sshll.u32 s6, $0x1;
	s6 =	sadd.s32 s22, s4  }
0xa3: {  	[timem:s8], [sflag:s23] =	dma.local [hbm:s6], s21  }
0xa4: {  	_ =	swait.ge [sflag:s23], s21  }
0xa5: {  	s5 =	ssub.s32 $0x0, s21;
	[sflag:s23] =	ssyncset.done $0x0  }
0xa6: {  	[sflag:s23] =	ssyncadd.s32 s5;
	_ =	sdelay $0x1  }
0xa7: {  	s24 =	simm.s32 $0x1B8B  }
0xa8: {  	_ =	swait.ge [sflag:s24], $0x1  }
0xa9: {  	[sflag:s24] =	ssyncset.done $0x0  }
0xaa: {  	s25 =	simm.s32 $0x1B8E;
	[sflag:s24] =	ssyncadd.s32 $0xFFFFFFFF  }
0xab: {  	s26 =	simm.s32 $execute0_lowered;
	[smem:$0x3FD2] =	sst s25  }
0xac: {  	s5 =	sshll.u32 s26, $0x1;
	_ =	strace $0x80000046;
	[dreg:$0x1] =	wrdreg $0xFFFFFFFF  }
0xad: {  	s28 =	simm.s32 $_size_execute0_lowered;
	s4 =	sadd.s32 s4, s5;
	[dreg:$0x0] =	wrdreg $0x0  }
0xae: {  	s5 =	sshll.u32 s28, $0x1;
	[dreg:$0x2] =	wrdreg s4  }
0xaf: {  	[dreg:$0x3] =	wrdreg s5  }
0xb0: {  	[dreg:$0x4] =	wrdreg $0xC0  }
0xb1: {  	_ =	task [dreg:s8], $0x5FFFF  }
0xb2: {  	[dreg:$0x1] =	wrdreg $0xFFFFFFFF  }
0xb3: {  	[dreg:$0x0] =	wrdreg $0x60  }
0xb4: {  	[dreg:$0x2] =	wrdreg s16  }
0xb5: {  	[dreg:$0x3] =	wrdreg s17  }
0xb6: {  	[dreg:$0x4] =	wrdreg $0x9  }
0xb7: {  	_ =	task.clear_ibuf [dreg:s8], $0x5FFFF;
	_ =	strace $0x90000046  }
0xb8: {  	s29 =	simm.s32 $0x9;
	_ =	strace $0x80000048  }
0xb9: {  	_ =	swait.ge [sflag:s29], $0x1  }
0xba: {  	[sflag:s29] =	ssyncadd.s32 $0xFFFFFFFF  }
0xbb: {  	_ =	strace $0x90000048  }
0xbc: {  	_ =	sfence  }
0xbd: {  	s30 =	sld [smem:$0x0];
	_ =	sdelay $0x2  }
0xbe: {  	s31 =	sshll.u32 s1, $0xD;
	s1 =	sshrl.u32 s1, $0x2  }
0xbf: {  	s3 =	sand.u32 $0x4000, s31;
	s1 =	sadd.s32 s1, s30  }
0xc0: {  	s0 =	sor.u32 s3, s0;
	s1 =	sshll.u32 s1, $0x11  }
0xc1: {  	s0 =	sor.u32 s1, s0  }
0xc2: {  	s0 =	sadd.s32 $0x8F2B, s0  }
0xc3: {  	[sflag:s0] =	ssyncadd.remote.s32 $0x1  }
0xc4: {  	_ =	sfence.sel $0xFFFF  }
0xc5: {  	[dreg:$0x0] =	wrdreg $0xFFFFFFFF;
	(pc) =	sbr.abs _section_cstart, $3  }
0xc6: {  	[dreg:$0x1] =	wrdreg $0xFFFFFFFF  }
0xc7: {  	_ =	task.clear_ibuf [dreg:s8], $0x2FFFF;
	_ =	strace $0x9FFFFFFF  }
0xc8: {  	(tm) =	ssettm $0x7FFFFFFF  }
0xc9: {  	_ =	shalt  }
tec
execute0_lowered:
.L_overlay_start_1:
0x0: {  	(tag) =	ssettag $0x1  }
0x1: {  	s1 =	srdreg.scid;
	s0 =	stileid.u32  }
0x2: {  	s18 =	rddreg [dreg:$0x0];
	s23 =	sand.u32 $0x1, s1;
	s30 =	sshll.u32 s0, $0x1  }
0x3: {  	s24 =	rddreg [dreg:$0x1];
	s2 =	simm.s32 $0x0;
	s4 =	sor.u32 s23, s30  }
0x4: {  	s5 =	simm.s32 $0xC3800;
	[smem:$0x7FF] =	sst s2;
	s7 =	smul.u32 $0x280, s4  }
0x5: {  	s6 =	simm.s32 $0x1;
	s1 =	rddreg [dreg:$0x2];
	_ =	strace $0x80000047  }
0x6: {  	s8 =	smul.u32 $0x1400, s4;
	s4 =	simm.s32 $0x1400;
	s3 =	sadd.s32 s18, s7  }
0x7: {  	[tilespmem:s2], [sflag:$0x1] =	stream.strided.gather [hbm4b:s3+s4], $0xA000, s5, s4, $0x38;
	[tilespmem:$0x14000] =	vst v63  }
0x8: {  	_ =	swait.ge [sflag:s6], $0xA000  }
0x9: {  	s19 =	sshrl.u32 s8, $0x3;
	[sflag:s6] =	ssyncset.done $0x0  }
0xa: {  	s7 =	sadd.s32 s24, s7;
	s11 =	sadd.s32 $0x5000, s19;
	[sflag:s6] =	ssyncadd.s32 $0xFFFF6000  }
0xb: {  	[hbm4b:s7+s4] =	stream.strided.scatter [tilespmem:s2], [sflag:$0x3], $0xA000, s5, s4, $0x38;
	[tilespmem:$0x14000] =	vst v63  }
0xc: {  	s9 =	simm.s32 $0xA000;
	s10 =	simm.s32 $0x2;
	s8 =	sadd.s32 s18, s11  }
0xd: {  	[tilespmem:s9], [sflag:$0x2] =	stream.strided.gather [hbm4b:s8+s4], $0xA000, s5, s4, $0x38;
	[tilespmem:$0x14000] =	vst v63  }
0xe: {  	_ =	swait.ge [sflag:s10], $0xA000  }
0xf: {  	[sflag:s10] =	ssyncset.done $0x0  }
0x10: {  	s12 =	simm.s32 $0x3;
	s11 =	sadd.s32 s24, s11;
	[sflag:s10] =	ssyncadd.s32 $0xFFFF6000  }
0x11: {  	[hbm4b:s11+s4] =	stream.strided.scatter [tilespmem:s9], [sflag:$0x4], $0xA000, s5, s4, $0x38;
	[tilespmem:$0x14000] =	vst v63  }
0x12: {  	_ =	swait.ge [sflag:s12], $0xA000  }
0x13: {  	s14 =	sadd.s32 $0xA000, s19;
	[sflag:s12] =	ssyncset.done $0x0  }
0x14: {  	s13 =	sadd.s32 s18, s14;
	[sflag:s12] =	ssyncadd.s32 $0xFFFF6000  }
0x15: {  	[tilespmem:s2], [sflag:$0x1] =	stream.strided.gather [hbm4b:s13+s4], $0xA000, s5, s4, $0x38;
	[tilespmem:$0x14000] =	vst v63  }
0x16: {  	_ =	swait.ge [sflag:s6], $0xA000  }
0x17: {  	[sflag:s6] =	ssyncset.done $0x0  }
0x18: {  	s15 =	simm.s32 $0x4;
	s14 =	sadd.s32 s24, s14;
	[sflag:s6] =	ssyncadd.s32 $0xFFFF6000  }
0x19: {  	[hbm4b:s14+s4] =	stream.strided.scatter [tilespmem:s2], [sflag:$0x3], $0xA000, s5, s4, $0x38;
	[tilespmem:$0x14000] =	vst v63  }
0x1a: {  	_ =	swait.ge [sflag:s15], $0xA000  }
0x1b: {  	s17 =	sadd.s32 $0xF000, s19;
	[sflag:s15] =	ssyncset.done $0x0  }
0x1c: {  	p0 =	sgt.u32 s0, $0xD;
	s16 =	sadd.s32 s18, s17;
	[sflag:s15] =	ssyncadd.s32 $0xFFFF6000  }
0x1d: {  	[tilespmem:s9], [sflag:$0x2] =	stream.strided.gather [hbm4b:s16+s4], $0xA000, s5, s4, $0x38;
	[tilespmem:$0x14000] =	vst v63  }
0x1e: {  	s20 =	simm.s32 @!p0 $0x1;
	_ =	swait.ge [sflag:s10], $0xA000  }
0x1f: {  	s21 =	simm.s32 @!p0 $0x1400;
	s22 =	simm.s32 @!p0 $0xC3800;
	[sflag:s10] =	ssyncset.done $0x0  }
0x20: {  	s26 =	ssub.s32 $0x2, s23;
	s17 =	sadd.s32 s24, s17;
	[sflag:s10] =	ssyncadd.s32 $0xFFFF6000  }
0x21: {  	[hbm4b:s17+s4] =	stream.strided.scatter [tilespmem:s9], [sflag:$0x4], $0xA000, s5, s4, $0x38;
	[tilespmem:$0x14000] =	vst v63  }
0x22: {  	s31 =	sshrl.u32 s26, $0x1;
	s25 =	sadd.s32 $0x14000, s19;
	_ =	swait.ge [sflag:s12], $0xA000  }
0x23: {  	s19 =	simm.s32 @!p0 $0x0;
	s18 =	sadd.s32 s18, s25;
	[sflag:s12] =	ssyncset.done $0x0  }
0x24: {  	s23 =	sadd.s32 s24, s25;
	s25 =	ssub.s32 s26, s31;
	[sflag:s12] =	ssyncadd.s32 $0xFFFF6000  }
0x25: {  	[tilespmem:s19], [sflag:$0x1] =	stream.strided.gather @!p0 [hbm4b:s18+s21], $0xA000, s22, s21, $0x38;
	[tilespmem:$0x14000] =	vst v63  }
0x26: {  	s26 =	smax.u32 s25, $0x1;
	_ =	swait.ge @!p0 [sflag:s20], $0xA000  }
0x27: {  	s26 =	sadd.s32 $0xFFFFFFFF, s26;
	[sflag:s20] =	ssyncset.done @!p0 $0x0  }
0x28: {  	s24 =	simm.s32 @!p0 $0x4;
	p1 =	sne.s32 s26, $0x0;
	[sflag:s20] =	ssyncadd.s32 @!p0 $0xFFFF6000  }
0x29: {  	[hbm4b:s23+s21] =	stream.strided.scatter @!p0 [tilespmem:s19], [sflag:$0x3], $0xA000, s22, s21, $0x38;
	[tilespmem:$0x14000] =	vst v63  }
.Ltmp0:
0x2a: {  	_ =	swait.ge @!p0 [sflag:s24], $0xA000;
	(pc) =	sbr.rel @!p1 .LBB2_2-.Ltmp0, $4  }
0x2b: {  	s25 =	simm.s32 @!p0 $0x3;
	[sflag:s24] =	ssyncset.done @!p0 $0x0  }
0x2c: {  	s25 =	simm.s32 @p0 $0x4;
	[sflag:s24] =	ssyncadd.s32 @!p0 $0xFFFF6000  }
0x2d: {  	_ =	swait.ge [sflag:s25], $0xA000  }
0x2e: {  	[sflag:s25] =	ssyncset.done $0x0  }
.LBB2_1:
0x2f: {  	s26 =	sadd.s32 $0xFFFFFFFF, s26;
	[sflag:s25] =	ssyncadd.s32 $0xFFFF6000  }
0x30: {  	[tilespmem:s2], [sflag:$0x1] =	stream.strided.gather [hbm4b:s3+s4], $0xA000, s5, s4, $0x38;
	[tilespmem:$0x14000] =	vst v63  }
0x31: {  	p1 =	sne.s32 s26, $0x0;
	_ =	swait.ge [sflag:s6], $0xA000  }
0x32: {  	[sflag:s6] =	ssyncset.done $0x0  }
0x33: {  	[sflag:s6] =	ssyncadd.s32 $0xFFFF6000  }
0x34: {  	[hbm4b:s7+s4] =	stream.strided.scatter [tilespmem:s2], [sflag:$0x3], $0xA000, s5, s4, $0x38;
	[tilespmem:$0x14000] =	vst v63  }
0x35: {  	_ = 	snop  }
0x36: {  	[tilespmem:s9], [sflag:$0x2] =	stream.strided.gather [hbm4b:s8+s4], $0xA000, s5, s4, $0x38;
	[tilespmem:$0x14000] =	vst v63  }
0x37: {  	_ =	swait.ge [sflag:s10], $0xA000  }
0x38: {  	[sflag:s10] =	ssyncset.done $0x0  }
0x39: {  	[sflag:s10] =	ssyncadd.s32 $0xFFFF6000  }
0x3a: {  	[hbm4b:s11+s4] =	stream.strided.scatter [tilespmem:s9], [sflag:$0x4], $0xA000, s5, s4, $0x38;
	[tilespmem:$0x14000] =	vst v63  }
0x3b: {  	_ =	swait.ge [sflag:s12], $0xA000  }
0x3c: {  	[sflag:s12] =	ssyncset.done $0x0  }
0x3d: {  	[sflag:s12] =	ssyncadd.s32 $0xFFFF6000  }
0x3e: {  	[tilespmem:s2], [sflag:$0x1] =	stream.strided.gather [hbm4b:s13+s4], $0xA000, s5, s4, $0x38;
	[tilespmem:$0x14000] =	vst v63  }
0x3f: {  	_ =	swait.ge [sflag:s6], $0xA000  }
0x40: {  	[sflag:s6] =	ssyncset.done $0x0  }
0x41: {  	[sflag:s6] =	ssyncadd.s32 $0xFFFF6000  }
0x42: {  	[hbm4b:s14+s4] =	stream.strided.scatter [tilespmem:s2], [sflag:$0x3], $0xA000, s5, s4, $0x38;
	[tilespmem:$0x14000] =	vst v63  }
0x43: {  	_ =	swait.ge [sflag:s15], $0xA000  }
0x44: {  	[sflag:s15] =	ssyncset.done $0x0  }
0x45: {  	[sflag:s15] =	ssyncadd.s32 $0xFFFF6000  }
0x46: {  	[tilespmem:s9], [sflag:$0x2] =	stream.strided.gather [hbm4b:s16+s4], $0xA000, s5, s4, $0x38;
	[tilespmem:$0x14000] =	vst v63  }
0x47: {  	_ =	swait.ge [sflag:s10], $0xA000  }
0x48: {  	[sflag:s10] =	ssyncset.done $0x0  }
0x49: {  	[sflag:s10] =	ssyncadd.s32 $0xFFFF6000  }
0x4a: {  	[hbm4b:s17+s4] =	stream.strided.scatter [tilespmem:s9], [sflag:$0x4], $0xA000, s5, s4, $0x38;
	[tilespmem:$0x14000] =	vst v63  }
0x4b: {  	_ =	swait.ge [sflag:s12], $0xA000  }
0x4c: {  	[sflag:s12] =	ssyncset.done $0x0  }
0x4d: {  	[sflag:s12] =	ssyncadd.s32 $0xFFFF6000  }
0x4e: {  	[tilespmem:s19], [sflag:$0x1] =	stream.strided.gather @!p0 [hbm4b:s18+s21], $0xA000, s22, s21, $0x38;
	[tilespmem:$0x14000] =	vst v63  }
0x4f: {  	_ =	swait.ge @!p0 [sflag:s20], $0xA000  }
0x50: {  	[sflag:s20] =	ssyncset.done @!p0 $0x0  }
0x51: {  	[sflag:s20] =	ssyncadd.s32 @!p0 $0xFFFF6000  }
0x52: {  	[hbm4b:s23+s21] =	stream.strided.scatter @!p0 [tilespmem:s19], [sflag:$0x3], $0xA000, s22, s21, $0x38;
	[tilespmem:$0x14000] =	vst v63  }
.Ltmp1:
0x53: {  	_ =	swait.ge @!p0 [sflag:s24], $0xA000;
	(pc) =	sbr.rel @p1 .LBB2_1-.Ltmp1, $4  }
0x54: {  	[sflag:s24] =	ssyncset.done @!p0 $0x0  }
0x55: {  	[sflag:s24] =	ssyncadd.s32 @!p0 $0xFFFF6000  }
0x56: {  	_ =	swait.ge [sflag:s25], $0xA000  }
0x57: {  	[sflag:s25] =	ssyncset.done $0x0  }
.LBB2_2:
0x58: {  	[sflag:s25] =	ssyncadd.s32 $0xFFFF6000  }
0x59: {  	_ =	sfence.sel $0x180000  }
0x5a: {  	[bflag:$0x0] =	sbarrier.arrive $0xFFFF  }
0x5b: {  	p0 =	sne.s32 s0, $0x0;
	_ =	strace $0x90000047  }
0x5c: {  	s0 =	sadd.s32 @!p0 $0x100000, s1;
	[bflag:$0x2] =	sbarrier.arrive $0xFFFF  }
0x5d: {  	[sflag:s0] =	ssyncadd.tile.s32 @!p0 $0x1;
	_ =	shalt  }
.Lfunc_end2:
_tile_overlayer_lowered:
.L_overlay_start_2:
0x5e: {  	(tag) =	ssettag $0x2  }
0x5f: {  	s0 =	rddreg [dreg:$0x0];
	s2 =	stileid.u32  }
0x60: {  	s1 =	rddreg [dreg:$0x1];
	p0 =	sne.s32 s2, $0x0  }
0x61: {  	s3 =	rddreg [dreg:$0x2];
	[bflag:$0x3] =	sbarrier.arrive $0xFFFF;
	s2 =	simm.s32 @!p0 $0x1C05  }
0x62: {  	[timem:s3], [sflag:s2] =	dma.local @!p0 [hbm:s0], s1  }
0x63: {  	s0 =	simm.s32 @!p0 $0x5  }
0x64: {  	_ =	swait.ge @!p0 [sflag:s0], s1  }
0x65: {  	s1 =	ssub.s32 @!p0 $0x0, s1;
	[sflag:s0] =	ssyncset.done @!p0 $0x0  }
0x66: {  	[sflag:s0] =	ssyncadd.s32 @!p0 s1  }
0x67: {  	[bflag:$0x3] =	sbarrier.arrive $0xFFFF  }
0x68: {  	_ =	shalt  }

</sc_bundles>
